<compile_context>
chip_gen: v7x
topology: tpu7x:2x2x1
jax: 0.10.2.dev20260603
libtpu: 0.0.44.dev20260713+nightly
codegen_flags: <defaults>
</compile_context>

<pallas_src>
import jax
import jax.numpy as jnp
from jax import lax
from jax.experimental import pallas as pl
from jax.experimental.pallas import tpu as pltpu
from jax.experimental.pallas import tpu_sc as plsc

SEQ_LEN = 8192
BLEN = 32
EMB = 128

_SEQ_BLK = 512

_NC = 2
_NS = 16
_NW = _NC * _NS
_SEQ_W = SEQ_LEN // _NW



def _emb_body(bin_ref, emb_ref, out_ref):
    amp = bin_ref[...] * 2.0 - 1.0
    table = emb_ref[...]
    out_ref[...] = amp[:, :, None] * table[None, :, :]


def _tc_emb(binary_input, embeddings):
    return pl.pallas_call(
        _emb_body,
        grid=(SEQ_LEN // _SEQ_BLK,),
        in_specs=[
            pl.BlockSpec((_SEQ_BLK, BLEN), lambda i: (i, 0)),
            pl.BlockSpec((BLEN, EMB), lambda i: (0, 0)),
        ],
        out_specs=pl.BlockSpec((_SEQ_BLK, BLEN, EMB), lambda i: (i, 0, 0)),
        out_shape=jax.ShapeDtypeStruct((SEQ_LEN, BLEN, EMB), jnp.float32),
    )(binary_input, embeddings)



def _rs_body(emb_ref, rs_ref):
    rs_ref[...] = jnp.sum(emb_ref[...], axis=1, keepdims=True).T


def _tc_rowsums(embeddings):
    return pl.pallas_call(
        _rs_body,
        out_shape=jax.ShapeDtypeStruct((1, BLEN), jnp.float32),
    )(embeddings)



def _logit_body(bin_hbm, rs_hbm, logit_hbm, bin_v, rs_v, logit_v):
    wid = lax.axis_index("s") * _NC + lax.axis_index("c")
    base = wid * _SEQ_W
    pltpu.sync_copy(bin_hbm.at[pl.ds(base, _SEQ_W)], bin_v)
    pltpu.sync_copy(rs_hbm, rs_v)
    rs_lo = rs_v[0, pl.ds(0, 16)]
    rs_hi = rs_v[0, pl.ds(16, 16)]

    def row(s, _):
        for q in range(4):
            amp_lo = bin_v[s * 4 + q, pl.ds(0, 16)] * 2.0 - 1.0
            amp_hi = bin_v[s * 4 + q, pl.ds(16, 16)] * 2.0 - 1.0
            logit_v[s * 4 + q, pl.ds(0, 16)] = amp_lo * rs_lo
            logit_v[s * 4 + q, pl.ds(16, 16)] = amp_hi * rs_hi
        return 0

    lax.fori_loop(0, _SEQ_W // 4, row, 0)
    pltpu.sync_copy(logit_v, logit_hbm.at[pl.ds(base, _SEQ_W)])


def _sc_logit(binary_input, rowsums):
    mesh = plsc.VectorSubcoreMesh(core_axis_name="c", subcore_axis_name="s")
    return pl.kernel(
        _logit_body,
        out_type=jax.ShapeDtypeStruct((SEQ_LEN, BLEN), jnp.float32),
        mesh=mesh,
        compiler_params=pltpu.CompilerParams(use_tc_tiling_on_sc=True),
        scratch_types=[
            pltpu.VMEM((_SEQ_W, BLEN), jnp.float32),
            pltpu.VMEM((1, BLEN), jnp.float32),
            pltpu.VMEM((_SEQ_W, BLEN), jnp.float32),
        ],
    )(binary_input, rowsums)


@jax.jit
def _run(binary_input, embeddings):
    rowsums = _tc_rowsums(embeddings)
    logit = _sc_logit(binary_input, rowsums)
    emb = _tc_emb(binary_input, embeddings)
    return emb, logit.reshape(SEQ_LEN, BLEN, 1)


def kernel(binary_input, embeddings):
    return _run(binary_input, embeddings)

# --- scband reference (transcript-rebuilt; emitter-appended) ---
"""Pipeline reference for scband-binary-embedding-19662360281629 (READ-ONLY COPY).

The authoritative reference and input builder live on the scoring server;
editing this copy changes nothing except your own understanding.
"""

import jax, jax.numpy as jnp
import numpy as np

SEQ_LEN = 8192
BINARY_LEN = 32
VOCAB_SIZE = 32
EMBED_SIZE = 128


def setup_inputs(seed: int = 0) -> dict:
    key = jax.random.key(seed)
    k1, k2 = jax.random.split(key)
    binary_input = jax.random.randint(k1, (SEQ_LEN, BINARY_LEN), 0, 2).astype(jnp.float32)
    # nn.Embedding weight: (vocab_size=32, hidden_size=embed_size), default N(0,1) init
    embeddings = jax.random.normal(k2, (VOCAB_SIZE, EMBED_SIZE), dtype=jnp.float32)
    return {"binary_input": binary_input, "embeddings": embeddings}


def reference(binary_input, embeddings):
    assert binary_input.ndim == 2, 'binary_input must be 2D (seq_len, binary_length)'
    seq_len, binary_len = binary_input.shape
    # amplitude in {-1, +1}
    amplitude = binary_input * 2 - 1
    # position indices [seq_len, binary_len], each row = arange(binary_len)
    position_indices = jnp.tile(jnp.arange(binary_len, dtype=jnp.int32)[None, :], (seq_len, 1))
    # embedding gather -> (seq_len, binary_len, embed_size)
    base_embeddings = jnp.take(embeddings, position_indices, axis=0)
    amplitude = amplitude[..., None]
    emb = base_embeddings * amplitude
    # sum over embedding dim, keepdim -> (seq_len, binary_len, 1)
    logit_prime = jnp.sum(emb, axis=2, keepdims=True)
    return (emb, logit_prime)

if __name__ == "__main__":
    import jax
    _d = setup_inputs()
    print(jax.jit(kernel)(*tuple(_d.values())))

</pallas_src>

<mosaic_0001>
#map = affine_map<(d0, d1) -> (0, 0)>
module attributes {stable_mosaic.version = 14 : i64} {
  func.func @_logit_body(%arg0: i32, %arg1: i32, %arg2: memref<8192x32xf32, #tpu.memory_space<hbm>>, %arg3: memref<1x32xf32, #tpu.memory_space<hbm>>, %arg4: memref<8192x32xf32, #tpu.memory_space<hbm>>, %arg5: memref<256x32xf32, #tpu.memory_space<vmem>>, %arg6: memref<1x32xf32, #tpu.memory_space<vmem>>, %arg7: memref<256x32xf32, #tpu.memory_space<vmem>>) attributes {dimension_semantics = [#tpu.dimension_semantics<core_parallel>, #tpu.dimension_semantics<subcore_parallel>], iteration_bounds = array<i64: 2, 16>, scalar_prefetch = 0 : i64, scratch_operands = 3 : i64, tpu.core_type = #tpu.core_type<sc_vector_subcore>, window_params = [{transform_indices = #map}, {transform_indices = #map}, {transform_indices = #map}]} {
    %mul3A = arith.constant 2 : i32
    %mul3A_0 = arith.muli %arg1, %mul3A : i32
    %add3A = arith.addi %mul3A_0, %arg0 : i32
    %mul3A_1 = arith.constant 256 : i32
    %mul3A_2 = arith.muli %add3A, %mul3A_1 : i32
    "tpu.region"() ({
      %run_scoped3A = tpu.sem_alloc : memref<!tpu.dma_semaphore, #tpu.memory_space<semaphore_mem>>
      %dma_start3A = arith.constant 0 : i32
      %dma_start3A_18 = tpu.memref_slice %arg2[%mul3A_2, %dma_start3A] : memref<8192x32xf32, #tpu.memory_space<hbm>> -> memref<256x32xf32, #tpu.memory_space<hbm>>
      %dma_start3A_19 = arith.constant 0 : i32
      %dma_start3A_20 = tpu.memref_slice %arg2[%mul3A_2, %dma_start3A_19] : memref<8192x32xf32, #tpu.memory_space<hbm>> -> memref<256x32xf32, #tpu.memory_space<hbm>>
      tpu.enqueue_dma source(%dma_start3A_20 : memref<256x32xf32, #tpu.memory_space<hbm>>) target(%arg5 : memref<256x32xf32, #tpu.memory_space<vmem>>) target_semaphore(%run_scoped3A : memref<!tpu.dma_semaphore, #tpu.memory_space<semaphore_mem>>)
      %dma_wait3A = arith.constant 0 : i32
      %dma_wait3A_21 = tpu.memref_slice %arg2[%mul3A_2, %dma_wait3A] : memref<8192x32xf32, #tpu.memory_space<hbm>> -> memref<256x32xf32, #tpu.memory_space<hbm>>
      %dma_wait3A_22 = arith.constant 0 : i32
      %dma_wait3A_23 = tpu.memref_slice %arg2[%mul3A_2, %dma_wait3A_22] : memref<8192x32xf32, #tpu.memory_space<hbm>> -> memref<256x32xf32, #tpu.memory_space<hbm>>
      tpu.wait_dma2 semaphore(%run_scoped3A : memref<!tpu.dma_semaphore, #tpu.memory_space<semaphore_mem>>) src(%dma_wait3A_23 : memref<256x32xf32, #tpu.memory_space<hbm>>) dst(%arg5 : memref<256x32xf32, #tpu.memory_space<vmem>>)
      tpu.yield
    }) : () -> ()
    "tpu.region"() ({
      %run_scoped3A = tpu.sem_alloc : memref<!tpu.dma_semaphore, #tpu.memory_space<semaphore_mem>>
      tpu.enqueue_dma source(%arg3 : memref<1x32xf32, #tpu.memory_space<hbm>>) target(%arg6 : memref<1x32xf32, #tpu.memory_space<vmem>>) target_semaphore(%run_scoped3A : memref<!tpu.dma_semaphore, #tpu.memory_space<semaphore_mem>>)
      tpu.wait_dma2 semaphore(%run_scoped3A : memref<!tpu.dma_semaphore, #tpu.memory_space<semaphore_mem>>) src(%arg3 : memref<1x32xf32, #tpu.memory_space<hbm>>) dst(%arg6 : memref<1x32xf32, #tpu.memory_space<vmem>>)
      tpu.yield
    }) : () -> ()
    %get3A = arith.constant 0 : i32
    %get3A_3 = arith.index_cast %get3A : i32 to index
    %get3A_4 = arith.constant 0 : index
    %get3A_5 = tpu.vector_load %arg6[%get3A_3, %get3A_4] {strides = array<i32>} : memref<1x32xf32, #tpu.memory_space<vmem>>, vector<1x16xf32>,
    %get3A_6 = vector.shape_cast %get3A_5 : vector<1x16xf32> to vector<16xf32>
    %get3A_7 = arith.constant 0 : i32
    %get3A_8 = arith.index_cast %get3A_7 : i32 to index
    %get3A_9 = arith.constant 16 : index
    %get3A_10 = tpu.vector_load %arg6[%get3A_8, %get3A_9] {strides = array<i32>} : memref<1x32xf32, #tpu.memory_space<vmem>>, vector<1x16xf32>,
    %get3A_11 = vector.shape_cast %get3A_10 : vector<1x16xf32> to vector<16xf32>
    %scan3A = arith.constant 0 : i32
    %scan3A_12 = arith.constant 0 : i32
    %scan3A_13 = arith.constant 64 : i32
    %scan3A_14 = arith.addi %scan3A_12, %scan3A_13 : i32
    %scan3A_15 = arith.constant 1 : i32
    %scan3A_16 = scf.for %scan3A_18 = %scan3A_12 to %scan3A_14 step %scan3A_15 iter_args(%scan3A_19 = %scan3A) -> (i32)  : i32 {
      %mul3A_20 = arith.constant 4 : i32
      %mul3A_21 = arith.muli %scan3A_18, %mul3A_20 : i32
      %add3A_22 = arith.constant 0 : i32
      %add3A_23 = arith.addi %mul3A_21, %add3A_22 : i32
      %get3A_24 = arith.index_cast %add3A_23 : i32 to index
      %get3A_25 = arith.constant 0 : index
      %get3A_26 = tpu.vector_load %arg5[%get3A_24, %get3A_25] {strides = array<i32>} : memref<256x32xf32, #tpu.memory_space<vmem>>, vector<1x16xf32>,
      %get3A_27 = vector.shape_cast %get3A_26 : vector<1x16xf32> to vector<16xf32>
      %mul3A_28 = arith.constant 2.000000e+00 : f32
      %mul3A_29 = vector.broadcast %mul3A_28 : f32 to vector<16xf32>
      %mul3A_30 = arith.mulf %get3A_27, %mul3A_29 : vector<16xf32>
      %sub3A = arith.constant 1.000000e+00 : f32
      %sub3A_31 = vector.broadcast %sub3A : f32 to vector<16xf32>
      %sub3A_32 = arith.subf %mul3A_30, %sub3A_31 : vector<16xf32>
      %mul3A_33 = arith.constant 4 : i32
      %mul3A_34 = arith.muli %scan3A_18, %mul3A_33 : i32
      %add3A_35 = arith.constant 0 : i32
      %add3A_36 = arith.addi %mul3A_34, %add3A_35 : i32
      %get3A_37 = arith.index_cast %add3A_36 : i32 to index
      %get3A_38 = arith.constant 16 : index
      %get3A_39 = tpu.vector_load %arg5[%get3A_37, %get3A_38] {strides = array<i32>} : memref<256x32xf32, #tpu.memory_space<vmem>>, vector<1x16xf32>,
      %get3A_40 = vector.shape_cast %get3A_39 : vector<1x16xf32> to vector<16xf32>
      %mul3A_41 = arith.constant 2.000000e+00 : f32
      %mul3A_42 = vector.broadcast %mul3A_41 : f32 to vector<16xf32>
      %mul3A_43 = arith.mulf %get3A_40, %mul3A_42 : vector<16xf32>
      %sub3A_44 = arith.constant 1.000000e+00 : f32
      %sub3A_45 = vector.broadcast %sub3A_44 : f32 to vector<16xf32>
      %sub3A_46 = arith.subf %mul3A_43, %sub3A_45 : vector<16xf32>
      %mul3A_47 = arith.mulf %sub3A_32, %get3A_6 : vector<16xf32>
      %mul3A_48 = arith.constant 4 : i32
      %mul3A_49 = arith.muli %scan3A_18, %mul3A_48 : i32
      %add3A_50 = arith.constant 0 : i32
      %add3A_51 = arith.addi %mul3A_49, %add3A_50 : i32
      %swap3A = arith.index_cast %add3A_51 : i32 to index
      %swap3A_52 = arith.constant 0 : index
      %swap3A_53 = tpu.vector_load %arg7[%swap3A, %swap3A_52] {strides = array<i32>} : memref<256x32xf32, #tpu.memory_space<vmem>>, vector<1x16xf32>,
      %swap3A_54 = vector.shape_cast %swap3A_53 : vector<1x16xf32> to vector<16xf32>
      %swap3A_55 = vector.shape_cast %mul3A_47 : vector<16xf32> to vector<1x16xf32>
      tpu.vector_store %arg7[%swap3A, %swap3A_52], %swap3A_55 {strides = array<i32>} : memref<256x32xf32, #tpu.memory_space<vmem>>, vector<1x16xf32>,
      %mul3A_56 = arith.mulf %sub3A_46, %get3A_11 : vector<16xf32>
      %mul3A_57 = arith.constant 4 : i32
      %mul3A_58 = arith.muli %scan3A_18, %mul3A_57 : i32
      %add3A_59 = arith.constant 0 : i32
      %add3A_60 = arith.addi %mul3A_58, %add3A_59 : i32
      %swap3A_61 = arith.index_cast %add3A_60 : i32 to index
      %swap3A_62 = arith.constant 16 : index
      %swap3A_63 = tpu.vector_load %arg7[%swap3A_61, %swap3A_62] {strides = array<i32>} : memref<256x32xf32, #tpu.memory_space<vmem>>, vector<1x16xf32>,
      %swap3A_64 = vector.shape_cast %swap3A_63 : vector<1x16xf32> to vector<16xf32>
      %swap3A_65 = vector.shape_cast %mul3A_56 : vector<16xf32> to vector<1x16xf32>
      tpu.vector_store %arg7[%swap3A_61, %swap3A_62], %swap3A_65 {strides = array<i32>} : memref<256x32xf32, #tpu.memory_space<vmem>>, vector<1x16xf32>,
      %mul3A_66 = arith.constant 4 : i32
      %mul3A_67 = arith.muli %scan3A_18, %mul3A_66 : i32
      %add3A_68 = arith.constant 1 : i32
      %add3A_69 = arith.addi %mul3A_67, %add3A_68 : i32
      %get3A_70 = arith.index_cast %add3A_69 : i32 to index
      %get3A_71 = arith.constant 0 : index
      %get3A_72 = tpu.vector_load %arg5[%get3A_70, %get3A_71] {strides = array<i32>} : memref<256x32xf32, #tpu.memory_space<vmem>>, vector<1x16xf32>,
      %get3A_73 = vector.shape_cast %get3A_72 : vector<1x16xf32> to vector<16xf32>
      %mul3A_74 = arith.constant 2.000000e+00 : f32
      %mul3A_75 = vector.broadcast %mul3A_74 : f32 to vector<16xf32>
      %mul3A_76 = arith.mulf %get3A_73, %mul3A_75 : vector<16xf32>
      %sub3A_77 = arith.constant 1.000000e+00 : f32
      %sub3A_78 = vector.broadcast %sub3A_77 : f32 to vector<16xf32>
      %sub3A_79 = arith.subf %mul3A_76, %sub3A_78 : vector<16xf32>
      %mul3A_80 = arith.constant 4 : i32
      %mul3A_81 = arith.muli %scan3A_18, %mul3A_80 : i32
      %add3A_82 = arith.constant 1 : i32
      %add3A_83 = arith.addi %mul3A_81, %add3A_82 : i32
      %get3A_84 = arith.index_cast %add3A_83 : i32 to index
      %get3A_85 = arith.constant 16 : index
      %get3A_86 = tpu.vector_load %arg5[%get3A_84, %get3A_85] {strides = array<i32>} : memref<256x32xf32, #tpu.memory_space<vmem>>, vector<1x16xf32>,
      %get3A_87 = vector.shape_cast %get3A_86 : vector<1x16xf32> to vector<16xf32>
      %mul3A_88 = arith.constant 2.000000e+00 : f32
      %mul3A_89 = vector.broadcast %mul3A_88 : f32 to vector<16xf32>
      %mul3A_90 = arith.mulf %get3A_87, %mul3A_89 : vector<16xf32>
      %sub3A_91 = arith.constant 1.000000e+00 : f32
      %sub3A_92 = vector.broadcast %sub3A_91 : f32 to vector<16xf32>
      %sub3A_93 = arith.subf %mul3A_90, %sub3A_92 : vector<16xf32>
      %mul3A_94 = arith.mulf %sub3A_79, %get3A_6 : vector<16xf32>
      %mul3A_95 = arith.constant 4 : i32
      %mul3A_96 = arith.muli %scan3A_18, %mul3A_95 : i32
      %add3A_97 = arith.constant 1 : i32
      %add3A_98 = arith.addi %mul3A_96, %add3A_97 : i32
      %swap3A_99 = arith.index_cast %add3A_98 : i32 to index
      %swap3A_100 = arith.constant 0 : index
      %swap3A_101 = tpu.vector_load %arg7[%swap3A_99, %swap3A_100] {strides = array<i32>} : memref<256x32xf32, #tpu.memory_space<vmem>>, vector<1x16xf32>,
      %swap3A_102 = vector.shape_cast %swap3A_101 : vector<1x16xf32> to vector<16xf32>
      %swap3A_103 = vector.shape_cast %mul3A_94 : vector<16xf32> to vector<1x16xf32>
      tpu.vector_store %arg7[%swap3A_99, %swap3A_100], %swap3A_103 {strides = array<i32>} : memref<256x32xf32, #tpu.memory_space<vmem>>, vector<1x16xf32>,
      %mul3A_104 = arith.mulf %sub3A_93, %get3A_11 : vector<16xf32>
      %mul3A_105 = arith.constant 4 : i32
      %mul3A_106 = arith.muli %scan3A_18, %mul3A_105 : i32
      %add3A_107 = arith.constant 1 : i32
      %add3A_108 = arith.addi %mul3A_106, %add3A_107 : i32
      %swap3A_109 = arith.index_cast %add3A_108 : i32 to index
      %swap3A_110 = arith.constant 16 : index
      %swap3A_111 = tpu.vector_load %arg7[%swap3A_109, %swap3A_110] {strides = array<i32>} : memref<256x32xf32, #tpu.memory_space<vmem>>, vector<1x16xf32>,
      %swap3A_112 = vector.shape_cast %swap3A_111 : vector<1x16xf32> to vector<16xf32>
      %swap3A_113 = vector.shape_cast %mul3A_104 : vector<16xf32> to vector<1x16xf32>
      tpu.vector_store %arg7[%swap3A_109, %swap3A_110], %swap3A_113 {strides = array<i32>} : memref<256x32xf32, #tpu.memory_space<vmem>>, vector<1x16xf32>,
      %mul3A_114 = arith.constant 4 : i32
      %mul3A_115 = arith.muli %scan3A_18, %mul3A_114 : i32
      %add3A_116 = arith.constant 2 : i32
      %add3A_117 = arith.addi %mul3A_115, %add3A_116 : i32
      %get3A_118 = arith.index_cast %add3A_117 : i32 to index
      %get3A_119 = arith.constant 0 : index
      %get3A_120 = tpu.vector_load %arg5[%get3A_118, %get3A_119] {strides = array<i32>} : memref<256x32xf32, #tpu.memory_space<vmem>>, vector<1x16xf32>,
      %get3A_121 = vector.shape_cast %get3A_120 : vector<1x16xf32> to vector<16xf32>
      %mul3A_122 = arith.constant 2.000000e+00 : f32
      %mul3A_123 = vector.broadcast %mul3A_122 : f32 to vector<16xf32>
      %mul3A_124 = arith.mulf %get3A_121, %mul3A_123 : vector<16xf32>
      %sub3A_125 = arith.constant 1.000000e+00 : f32
      %sub3A_126 = vector.broadcast %sub3A_125 : f32 to vector<16xf32>
      %sub3A_127 = arith.subf %mul3A_124, %sub3A_126 : vector<16xf32>
      %mul3A_128 = arith.constant 4 : i32
      %mul3A_129 = arith.muli %scan3A_18, %mul3A_128 : i32
      %add3A_130 = arith.constant 2 : i32
      %add3A_131 = arith.addi %mul3A_129, %add3A_130 : i32
      %get3A_132 = arith.index_cast %add3A_131 : i32 to index
      %get3A_133 = arith.constant 16 : index
      %get3A_134 = tpu.vector_load %arg5[%get3A_132, %get3A_133] {strides = array<i32>} : memref<256x32xf32, #tpu.memory_space<vmem>>, vector<1x16xf32>,
      %get3A_135 = vector.shape_cast %get3A_134 : vector<1x16xf32> to vector<16xf32>
      %mul3A_136 = arith.constant 2.000000e+00 : f32
      %mul3A_137 = vector.broadcast %mul3A_136 : f32 to vector<16xf32>
      %mul3A_138 = arith.mulf %get3A_135, %mul3A_137 : vector<16xf32>
      %sub3A_139 = arith.constant 1.000000e+00 : f32
      %sub3A_140 = vector.broadcast %sub3A_139 : f32 to vector<16xf32>
      %sub3A_141 = arith.subf %mul3A_138, %sub3A_140 : vector<16xf32>
      %mul3A_142 = arith.mulf %sub3A_127, %get3A_6 : vector<16xf32>
      %mul3A_143 = arith.constant 4 : i32
      %mul3A_144 = arith.muli %scan3A_18, %mul3A_143 : i32
      %add3A_145 = arith.constant 2 : i32
      %add3A_146 = arith.addi %mul3A_144, %add3A_145 : i32
      %swap3A_147 = arith.index_cast %add3A_146 : i32 to index
      %swap3A_148 = arith.constant 0 : index
      %swap3A_149 = tpu.vector_load %arg7[%swap3A_147, %swap3A_148] {strides = array<i32>} : memref<256x32xf32, #tpu.memory_space<vmem>>, vector<1x16xf32>,
      %swap3A_150 = vector.shape_cast %swap3A_149 : vector<1x16xf32> to vector<16xf32>
      %swap3A_151 = vector.shape_cast %mul3A_142 : vector<16xf32> to vector<1x16xf32>
      tpu.vector_store %arg7[%swap3A_147, %swap3A_148], %swap3A_151 {strides = array<i32>} : memref<256x32xf32, #tpu.memory_space<vmem>>, vector<1x16xf32>,
      %mul3A_152 = arith.mulf %sub3A_141, %get3A_11 : vector<16xf32>
      %mul3A_153 = arith.constant 4 : i32
      %mul3A_154 = arith.muli %scan3A_18, %mul3A_153 : i32
      %add3A_155 = arith.constant 2 : i32
      %add3A_156 = arith.addi %mul3A_154, %add3A_155 : i32
      %swap3A_157 = arith.index_cast %add3A_156 : i32 to index
      %swap3A_158 = arith.constant 16 : index
      %swap3A_159 = tpu.vector_load %arg7[%swap3A_157, %swap3A_158] {strides = array<i32>} : memref<256x32xf32, #tpu.memory_space<vmem>>, vector<1x16xf32>,
      %swap3A_160 = vector.shape_cast %swap3A_159 : vector<1x16xf32> to vector<16xf32>
      %swap3A_161 = vector.shape_cast %mul3A_152 : vector<16xf32> to vector<1x16xf32>
      tpu.vector_store %arg7[%swap3A_157, %swap3A_158], %swap3A_161 {strides = array<i32>} : memref<256x32xf32, #tpu.memory_space<vmem>>, vector<1x16xf32>,
      %mul3A_162 = arith.constant 4 : i32
      %mul3A_163 = arith.muli %scan3A_18, %mul3A_162 : i32
      %add3A_164 = arith.constant 3 : i32
      %add3A_165 = arith.addi %mul3A_163, %add3A_164 : i32
      %get3A_166 = arith.index_cast %add3A_165 : i32 to index
      %get3A_167 = arith.constant 0 : index
      %get3A_168 = tpu.vector_load %arg5[%get3A_166, %get3A_167] {strides = array<i32>} : memref<256x32xf32, #tpu.memory_space<vmem>>, vector<1x16xf32>,
      %get3A_169 = vector.shape_cast %get3A_168 : vector<1x16xf32> to vector<16xf32>
      %mul3A_170 = arith.constant 2.000000e+00 : f32
      %mul3A_171 = vector.broadcast %mul3A_170 : f32 to vector<16xf32>
      %mul3A_172 = arith.mulf %get3A_169, %mul3A_171 : vector<16xf32>
      %sub3A_173 = arith.constant 1.000000e+00 : f32
      %sub3A_174 = vector.broadcast %sub3A_173 : f32 to vector<16xf32>
      %sub3A_175 = arith.subf %mul3A_172, %sub3A_174 : vector<16xf32>
      %mul3A_176 = arith.constant 4 : i32
      %mul3A_177 = arith.muli %scan3A_18, %mul3A_176 : i32
      %add3A_178 = arith.constant 3 : i32
      %add3A_179 = arith.addi %mul3A_177, %add3A_178 : i32
      %get3A_180 = arith.index_cast %add3A_179 : i32 to index
      %get3A_181 = arith.constant 16 : index
      %get3A_182 = tpu.vector_load %arg5[%get3A_180, %get3A_181] {strides = array<i32>} : memref<256x32xf32, #tpu.memory_space<vmem>>, vector<1x16xf32>,
      %get3A_183 = vector.shape_cast %get3A_182 : vector<1x16xf32> to vector<16xf32>
      %mul3A_184 = arith.constant 2.000000e+00 : f32
      %mul3A_185 = vector.broadcast %mul3A_184 : f32 to vector<16xf32>
      %mul3A_186 = arith.mulf %get3A_183, %mul3A_185 : vector<16xf32>
      %sub3A_187 = arith.constant 1.000000e+00 : f32
      %sub3A_188 = vector.broadcast %sub3A_187 : f32 to vector<16xf32>
      %sub3A_189 = arith.subf %mul3A_186, %sub3A_188 : vector<16xf32>
      %mul3A_190 = arith.mulf %sub3A_175, %get3A_6 : vector<16xf32>
      %mul3A_191 = arith.constant 4 : i32
      %mul3A_192 = arith.muli %scan3A_18, %mul3A_191 : i32
      %add3A_193 = arith.constant 3 : i32
      %add3A_194 = arith.addi %mul3A_192, %add3A_193 : i32
      %swap3A_195 = arith.index_cast %add3A_194 : i32 to index
      %swap3A_196 = arith.constant 0 : index
      %swap3A_197 = tpu.vector_load %arg7[%swap3A_195, %swap3A_196] {strides = array<i32>} : memref<256x32xf32, #tpu.memory_space<vmem>>, vector<1x16xf32>,
      %swap3A_198 = vector.shape_cast %swap3A_197 : vector<1x16xf32> to vector<16xf32>
      %swap3A_199 = vector.shape_cast %mul3A_190 : vector<16xf32> to vector<1x16xf32>
      tpu.vector_store %arg7[%swap3A_195, %swap3A_196], %swap3A_199 {strides = array<i32>} : memref<256x32xf32, #tpu.memory_space<vmem>>, vector<1x16xf32>,
      %mul3A_200 = arith.mulf %sub3A_189, %get3A_11 : vector<16xf32>
      %mul3A_201 = arith.constant 4 : i32
      %mul3A_202 = arith.muli %scan3A_18, %mul3A_201 : i32
      %add3A_203 = arith.constant 3 : i32
      %add3A_204 = arith.addi %mul3A_202, %add3A_203 : i32
      %swap3A_205 = arith.index_cast %add3A_204 : i32 to index
      %swap3A_206 = arith.constant 16 : index
      %swap3A_207 = tpu.vector_load %arg7[%swap3A_205, %swap3A_206] {strides = array<i32>} : memref<256x32xf32, #tpu.memory_space<vmem>>, vector<1x16xf32>,
      %swap3A_208 = vector.shape_cast %swap3A_207 : vector<1x16xf32> to vector<16xf32>
      %swap3A_209 = vector.shape_cast %mul3A_200 : vector<16xf32> to vector<1x16xf32>
      tpu.vector_store %arg7[%swap3A_205, %swap3A_206], %swap3A_209 {strides = array<i32>} : memref<256x32xf32, #tpu.memory_space<vmem>>, vector<1x16xf32>,
      %scan3A_210 = arith.constant 0 : i32
      scf.yield %scan3A_210 : i32
    }
    %scan3A_17 = arith.constant 64 : i32
    "tpu.region"() ({
      %run_scoped3A = tpu.sem_alloc : memref<!tpu.dma_semaphore, #tpu.memory_space<semaphore_mem>>
      %dma_start3A = arith.constant 0 : i32
      %dma_start3A_18 = tpu.memref_slice %arg4[%mul3A_2, %dma_start3A] : memref<8192x32xf32, #tpu.memory_space<hbm>> -> memref<256x32xf32, #tpu.memory_space<hbm>>
      %dma_start3A_19 = arith.constant 0 : i32
      %dma_start3A_20 = tpu.memref_slice %arg4[%mul3A_2, %dma_start3A_19] : memref<8192x32xf32, #tpu.memory_space<hbm>> -> memref<256x32xf32, #tpu.memory_space<hbm>>
      tpu.enqueue_dma source(%arg7 : memref<256x32xf32, #tpu.memory_space<vmem>>) target(%dma_start3A_20 : memref<256x32xf32, #tpu.memory_space<hbm>>) target_semaphore(%run_scoped3A : memref<!tpu.dma_semaphore, #tpu.memory_space<semaphore_mem>>)
      %dma_wait3A = arith.constant 0 : i32
      %dma_wait3A_21 = tpu.memref_slice %arg4[%mul3A_2, %dma_wait3A] : memref<8192x32xf32, #tpu.memory_space<hbm>> -> memref<256x32xf32, #tpu.memory_space<hbm>>
      %dma_wait3A_22 = arith.constant 0 : i32
      %dma_wait3A_23 = tpu.memref_slice %arg4[%mul3A_2, %dma_wait3A_22] : memref<8192x32xf32, #tpu.memory_space<hbm>> -> memref<256x32xf32, #tpu.memory_space<hbm>>
      tpu.wait_dma2 semaphore(%run_scoped3A : memref<!tpu.dma_semaphore, #tpu.memory_space<semaphore_mem>>) src(%arg7 : memref<256x32xf32, #tpu.memory_space<vmem>>) dst(%dma_wait3A_23 : memref<256x32xf32, #tpu.memory_space<hbm>>)
      tpu.yield
    }) : () -> ()
    return
  }
}

module attributes {stable_mosaic.version = 14 : i64} {
  func.func @_rs_body(%arg0: memref<32x128xf32, #tpu.memory_space<vmem>>, %arg1: memref<1x32xf32, #tpu.memory_space<vmem>>) attributes {dimension_semantics = [], scalar_prefetch = 0 : i64, scratch_operands = 0 : i64, tpu.core_type = #tpu.core_type<tc>} {
    %get3A = arith.constant 0 : index
    %get3A_0 = arith.constant 0 : index
    %get3A_1 = vector.load %arg0[%get3A, %get3A_0] : memref<32x128xf32, #tpu.memory_space<vmem>>, vector<32x128xf32>
    %reduce_sum3A = arith.constant dense<0.000000e+00> : vector<32xf32>
    %reduce_sum3A_2 = vector.multi_reduction <add>, %get3A_1, %reduce_sum3A [1] : vector<32x128xf32> to vector<32xf32>
    %broadcast_in_dim3A = vector.shape_cast %reduce_sum3A_2 : vector<32xf32> to vector<32x1xf32>
    %transpose3A = tpu.transpose %broadcast_in_dim3A, [1, 0] : vector<32x1xf32> -> vector<1x32xf32>
    %swap3A = arith.constant 0 : index
    %swap3A_3 = arith.constant 0 : index
    %swap3A_4 = vector.load %arg1[%swap3A, %swap3A_3] : memref<1x32xf32, #tpu.memory_space<vmem>>, vector<1x32xf32>
    tpu.vector_store %arg1[%swap3A, %swap3A_3], %transpose3A {strides = array<i32>} : memref<1x32xf32, #tpu.memory_space<vmem>>, vector<1x32xf32>,
    return
  }
}

module attributes {stable_mosaic.version = 14 : i64} {
  func.func @_emb_body(%arg0: i32, %arg1: memref<512x32xf32, #tpu.memory_space<vmem>>, %arg2: memref<32x128xf32, #tpu.memory_space<vmem>>, %arg3: memref<512x32x128xf32, #tpu.memory_space<vmem>>) attributes {dimension_semantics = [#tpu.dimension_semantics<arbitrary>], iteration_bounds = array<i64: 16>, scalar_prefetch = 0 : i64, scratch_operands = 0 : i64, tpu.core_type = #tpu.core_type<tc>, window_params = [{transform_indices = @transform_0, window_bounds = array<i64: 512, 32>}, {pipeline_mode = #tpu.pipeline_mode<synchronous>, transform_indices = @transform_1, window_bounds = array<i64: 32, 128>}, {transform_indices = @transform_2, window_bounds = array<i64: 512, 32, 128>}]} {
    %get3A = arith.constant 0 : index
    %get3A_0 = arith.constant 0 : index
    %get3A_1 = vector.load %arg1[%get3A, %get3A_0] : memref<512x32xf32, #tpu.memory_space<vmem>>, vector<512x32xf32>
    %mul3A = arith.constant 2.000000e+00 : f32
    %mul3A_2 = vector.broadcast %mul3A : f32 to vector<512x32xf32>
    %mul3A_3 = arith.mulf %get3A_1, %mul3A_2 : vector<512x32xf32>
    %sub3A = arith.constant 1.000000e+00 : f32
    %sub3A_4 = vector.broadcast %sub3A : f32 to vector<512x32xf32>
    %sub3A_5 = arith.subf %mul3A_3, %sub3A_4 : vector<512x32xf32>
    %get3A_6 = arith.constant 0 : index
    %get3A_7 = arith.constant 0 : index
    %get3A_8 = vector.load %arg2[%get3A_6, %get3A_7] : memref<32x128xf32, #tpu.memory_space<vmem>>, vector<32x128xf32>
    %broadcast_in_dim3A = vector.shape_cast %sub3A_5 : vector<512x32xf32> to vector<512x32x1xf32>
    %broadcast_in_dim3A_9 = vector.shape_cast %get3A_8 : vector<32x128xf32> to vector<1x32x128xf32>
    %mul3A_10 = vector.broadcast %broadcast_in_dim3A : vector<512x32x1xf32> to vector<512x32x128xf32>
    %mul3A_11 = vector.broadcast %broadcast_in_dim3A_9 : vector<1x32x128xf32> to vector<512x32x128xf32>
    %mul3A_12 = arith.mulf %mul3A_10, %mul3A_11 : vector<512x32x128xf32>
    %swap3A = arith.constant 0 : index
    %swap3A_13 = arith.constant 0 : index
    %swap3A_14 = arith.constant 0 : index
    %swap3A_15 = vector.load %arg3[%swap3A, %swap3A_13, %swap3A_14] : memref<512x32x128xf32, #tpu.memory_space<vmem>>, vector<512x32x128xf32>
    tpu.vector_store %arg3[%swap3A, %swap3A_13, %swap3A_14], %mul3A_12 {strides = array<i32>} : memref<512x32x128xf32, #tpu.memory_space<vmem>>, vector<512x32x128xf32>,
    return
  }
  func.func @transform_0(%arg0: i32) -> (i32, i32) {
    %c0_i32 = arith.constant 0 : i32
    %c0_i32_0 = arith.constant 0 : i32
    return %arg0, %c0_i32 : i32, i32
  }
  func.func @transform_1(%arg0: i32) -> (i32, i32) {
    %c0_i32 = arith.constant 0 : i32
    %c0_i32_0 = arith.constant 0 : i32
    %c0_i32_1 = arith.constant 0 : i32
    return %c0_i32, %c0_i32_0 : i32, i32
  }
  func.func @transform_2(%arg0: i32) -> (i32, i32, i32) {
    %c0_i32 = arith.constant 0 : i32
    %c0_i32_0 = arith.constant 0 : i32
    %c0_i32_1 = arith.constant 0 : i32
    return %arg0, %c0_i32, %c0_i32_0 : i32, i32, i32
  }
}

</mosaic_0001>

<sc_bundles>
// kernel: _run.5.cloned.1.call-start
scs
__scs_entry_jumppad:
0x0: {  	(pc) =	sbr.rel $0x88, $3  }
0x1: {  	(tag) =	ssettag $0x0;
	lr =	simm.s32 $0x1  }
0x2: {  	[smem:$0x3F9F] =	sst lr;
	_ =	strace $0xD0000000  }
0x3: {  	_ = 	snop  }
0x4: {  	_ = 	snop  }
0x5: {  	_ = 	snop  }
0x6: {  	_ = 	snop  }
0x7: {  	_ = 	snop  }
__scs_overlays_trampoline_lowered:
0x8: {  	[smem:$0x3FAE] =	sst s0  }
0x9: {  	[smem:$0x3FAF] =	sst s1  }
0xa: {  	[smem:$0x3FB0] =	sst s2  }
0xb: {  	[smem:$0x3FB1] =	sst s3  }
0xc: {  	[smem:$0x3FB2] =	sst s4  }
0xd: {  	[smem:$0x3FB3] =	sst s5  }
0xe: {  	[smem:$0x3FB4] =	sst s6  }
0xf: {  	[smem:$0x3FB5] =	sst s7  }
0x10: {  	[smem:$0x3FB6] =	sst s8  }
0x11: {  	[smem:$0x3FB7] =	sst s9;
	s0 =	simm.s32 @!p0 $0x0  }
0x12: {  	s1 =	sld [smem:$0x3F9D];
	s0 =	simm.s32 @p0 $0x1  }
0x13: {  	[smem:$0x3FB8] =	sst s0;
	s0 =	simm.s32 @!p1 $0x0  }
0x14: {  	s2 =	sld [smem:$0x3F9C];
	s0 =	simm.s32 @p1 $0x1  }
0x15: {  	[smem:$0x3FB9] =	sst s0;
	s0 =	simm.s32 @!p2 $0x0  }
0x16: {  	s3 =	sld [smem:$0x3FDB];
	s0 =	simm.s32 @p2 $0x1  }
0x17: {  	s4 =	simm.s32 $0x1BF5;
	[smem:$0x3FBB] =	sst s0  }
0x18: {  	s0 =	sld [smem:$0x3F9E];
	_ =	swait.ge [sflag:s4], $0x0  }
0x19: {  	s7 =	sld [smem:$0x3F9F]  }
0x1a: {  	s8 =	sadd.s32 $0xFFFFE003, lr  }
0x1b: {  	s9 =	sadd.s32 $0xFFFFFEF7, lr;
	s5 =	simm.s32 $0xFFFFFFFF;
	p2 =	slt.u32 s8, $0xFFFFF086  }
0x1c: {  	p1 =	slt.u32 s9, $0xF7A;
	s5 =	simm.s32 @!p2 $0x0  }
0x1d: {  	s5 =	simm.s32 @p1 $0x1;
	p0 =	seq.s32 s7, s2  }
0x1e: {  	s7 =	smul.u32 @!p0 $0xF7A, s2;
	p2 =	seq.s32 @!p0 s5, $0x0  }
0x1f: {  	s9 =	smul.u32 $0xF7A, s1;
	s8 =	simm.s32 @!p0 $0x1BF5;
	p2 =	por !p2, p0  }
0x20: {  	[sflag:s8] =	ssyncset.s32 @!p0 $0xFFFFF086;
	s6 =	sadd.s32 @!p0 s3, s7;
	s7 =	simm.s32 @!p0 $0x108  }
0x21: {  	s3 =	sadd.s32 s3, s9;
	s6 =	sadd.s32 @!p0 $0x88, s6;
	s7 =	simm.s32 @p2 $0x1082  }
0x22: {  	[simem:s7], [sflag:s8] =	dma.local @!p0 [hbm:s6], $0xF7A  }
0x23: {  	s9 =	sor.u32 $0xD0000000, s2;
	s6 =	simm.s32 $0x108;
	_ =	swait.ge @!p0 [sflag:s8], $0x0  }
0x24: {  	s3 =	sadd.s32 $0x88, s3;
	s6 =	simm.s32 @!p1 $0x1082;
	[sflag:s4] =	ssyncset.s32 $0xFFFFF086  }
0x25: {  	[simem:s6], [sflag:s4] =	dma.local [hbm:s3], $0xF7A  }
0x26: {  	[smem:$0x3F9F] =	sst s1;
	(tag) =	ssettag s2;
	_ =	strace s9  }
0x27: {  	s1 =	sld [smem:$0x3FAF]  }
0x28: {  	s2 =	sld [smem:$0x3FB0]  }
0x29: {  	s4 =	sld [smem:$0x3FB2]  }
0x2a: {  	p0 =	seq.s32 s5, $0x0;
	s5 =	sld [smem:$0x3FB3]  }
0x2b: {  	s6 =	sld [smem:$0x3FB4]  }
0x2c: {  	s7 =	sld [smem:$0x3FB5]  }
0x2d: {  	s3 =	simm.s32 $0x108;
	s8 =	sld [smem:$0x3FB6]  }
0x2e: {  	s3 =	simm.s32 @!p0 $0x1082;
	s9 =	sld [smem:$0x3FB7]  }
0x2f: {  	lr =	sadd.s32 s0, s3;
	s0 =	sld [smem:$0x3FAE]  }
0x30: {  	s3 =	sld [smem:$0x3FB1]  }
0x31: {  	[smem:$0x3FBA] =	sst s10  }
0x32: {  	s10 =	sld [smem:$0x3FB8];
	_ =	sdelay $0x3  }
0x33: {  	p0 =	seq.s32 s10, $0x1;
	s10 =	sld [smem:$0x3FBA];
	_ =	sdelay $0x3  }
0x34: {  	[smem:$0x3FBA] =	sst s10  }
0x35: {  	s10 =	sld [smem:$0x3FB9];
	_ =	sdelay $0x3  }
0x36: {  	p1 =	seq.s32 s10, $0x1;
	s10 =	sld [smem:$0x3FBA];
	_ =	sdelay $0x3  }
0x37: {  	[smem:$0x3FBA] =	sst s10  }
0x38: {  	s10 =	sld [smem:$0x3FBB]  }
0x39: {  	_ = 	snop;
	(pc) =	sbr.ind lr, $3  }
0x3a: {  	_ = 	snop  }
0x3b: {  	_ = 	snop  }
0x3c: {  	p2 =	seq.s32 s10, $0x1;
	s10 =	sld [smem:$0x3FBA]  }
0x3d: {  	_ =	shalt  }
0x3e: {  	_ =	shalt  }
0x3f: {  	_ =	shalt  }
0x40: {  	_ =	shalt  }
0x41: {  	_ =	shalt  }
0x42: {  	_ =	shalt  }
0x43: {  	_ =	shalt  }
0x44: {  	_ =	shalt  }
0x45: {  	_ =	shalt  }
0x46: {  	_ =	shalt  }
0x47: {  	_ =	shalt  }
0x48: {  	_ =	shalt  }
0x49: {  	_ =	shalt  }
0x4a: {  	_ =	shalt  }
0x4b: {  	_ =	shalt  }
0x4c: {  	_ =	shalt  }
0x4d: {  	_ =	shalt  }
0x4e: {  	_ =	shalt  }
0x4f: {  	_ =	shalt  }
0x50: {  	_ =	shalt  }
0x51: {  	_ =	shalt  }
0x52: {  	_ =	shalt  }
0x53: {  	_ =	shalt  }
0x54: {  	_ =	shalt  }
0x55: {  	_ =	shalt  }
0x56: {  	_ =	shalt  }
0x57: {  	_ =	shalt  }
0x58: {  	_ =	shalt  }
0x59: {  	_ =	shalt  }
0x5a: {  	_ =	shalt  }
0x5b: {  	_ =	shalt  }
0x5c: {  	_ =	shalt  }
0x5d: {  	_ =	shalt  }
0x5e: {  	_ =	shalt  }
0x5f: {  	_ =	shalt  }
0x60: {  	_ =	shalt  }
0x61: {  	_ =	shalt  }
0x62: {  	_ =	shalt  }
0x63: {  	_ =	shalt  }
0x64: {  	_ =	shalt  }
0x65: {  	_ =	shalt  }
0x66: {  	_ =	shalt  }
0x67: {  	_ =	shalt  }
0x68: {  	_ =	shalt  }
0x69: {  	_ =	shalt  }
0x6a: {  	_ =	shalt  }
0x6b: {  	_ =	shalt  }
0x6c: {  	_ =	shalt  }
0x6d: {  	_ =	shalt  }
0x6e: {  	_ =	shalt  }
0x6f: {  	_ =	shalt  }
0x70: {  	_ =	shalt  }
0x71: {  	_ =	shalt  }
0x72: {  	_ =	shalt  }
0x73: {  	_ =	shalt  }
0x74: {  	_ =	shalt  }
0x75: {  	_ =	shalt  }
0x76: {  	_ =	shalt  }
0x77: {  	_ =	shalt  }
0x78: {  	_ =	shalt  }
0x79: {  	_ =	shalt  }
0x7a: {  	_ =	shalt  }
0x7b: {  	_ =	shalt  }
0x7c: {  	_ =	shalt  }
0x7d: {  	_ =	shalt  }
0x7e: {  	_ =	shalt  }
0x7f: {  	_ =	shalt  }
0x80: {  	_ =	shalt  }
0x81: {  	_ =	shalt  }
0x82: {  	_ =	shalt  }
0x83: {  	_ =	shalt  }
0x84: {  	_ =	shalt  }
0x85: {  	_ =	shalt  }
0x86: {  	_ =	shalt  }
0x87: {  	_ =	shalt  }
.Lfunc_end0:
.L_simem_size_0:
called_computation_lowered:
.L_overlay_start_0:
0x88: {  	s2 =	sld [smem:$0x3FD9]  }
0x89: {  	s3 =	sld [smem:$0x3FFE];
	_ =	sdelay $0x1  }
0x8a: {  	s1 =	srdreg.scid  }
0x8b: {  	s0 =	sand.u32 $0x1, s1  }
0x8c: {  	s14 =	sshll.u32 s0, $0xA;
	s2 =	sadd.s32 s3, s2  }
0x8d: {  	s2 =	sadd.s32 s2, s14  }
0x8e: {  	[smem:$0x3FC6] =	sst s2  }
0x8f: {  	_ = 	snop  }
0x90: {  	s2 =	sld [smem:$0x3FD0];
	_ =	sdelay $0x2  }
0x91: {  	s15 =	simm.s32 $0xA;
	s4 =	simm.s32 $0x10  }
0x92: {  	[smem:s4], [sflag:s15] =	dma.local [hbm:s2], $0x1  }
0x93: {  	_ =	swait.eq [sflag:s15], $0x1  }
0x94: {  	[sflag:s15] =	ssyncset.done $0x0  }
0x95: {  	[sflag:s15] =	ssyncadd.s32 $0xFFFFFFFF  }
0x96: {  	s16 =	sld [smem:$0x11];
	(tm) =	ssettm $0x1  }
0x97: {  	s17 =	sld [smem:$0x3FFB];
	_ =	sdelay $0x3  }
0x98: {  	_ =	strace s17  }
0x99: {  	s3 =	sld [smem:$0x3FFC];
	_ =	sdelay $0x3  }
0x9a: {  	_ =	strace s3  }
0x9b: {  	s3 =	sld [smem:$0x3FFD];
	_ =	sdelay $0x3  }
0x9c: {  	_ =	strace s3  }
0x9d: {  	_ =	strace $0x8FFFFFFF  }
0x9e: {  	s18 =	sld [smem:$0x3FDB];
	_ =	sdelay $0x1  }
0x9f: {  	s19 =	simm.s32 $_scs_section_size  }
0xa0: {  	s5 =	simm.s32 $_size__tile_overlayer_lowered;
	s6 =	simm.s32 $_tile_overlayer_lowered  }
0xa1: {  	s22 =	simm.s32 $0x1BFF;
	s21 =	sshll.u32 s6, $0x1;
	s3 =	sadd.s32 s19, s18  }
0xa2: {  	s7 =	simm.s32 $0x0;
	s20 =	sshll.u32 s5, $0x1;
	s5 =	sadd.s32 s21, s3  }
0xa3: {  	[timem:s7], [sflag:s22] =	dma.local [hbm:s5], s20  }
0xa4: {  	_ =	swait.ge [sflag:s22], s20  }
0xa5: {  	s4 =	ssub.s32 $0x0, s20;
	[sflag:s22] =	ssyncset.done $0x0  }
0xa6: {  	[sflag:s22] =	ssyncadd.s32 s4;
	_ =	sdelay $0x1  }
0xa7: {  	s23 =	simm.s32 $0x1B8B  }
0xa8: {  	_ =	swait.ge [sflag:s23], $0x1  }
0xa9: {  	[sflag:s23] =	ssyncset.done $0x0  }
0xaa: {  	s25 =	simm.s32 $0x1B8E;
	s24 =	sld [smem:$0x3FFE];
	[sflag:s23] =	ssyncadd.s32 $0xFFFFFFFF  }
0xab: {  	s26 =	simm.s32 $execute0_lowered;
	[smem:$0x3FD2] =	sst s25  }
0xac: {  	s5 =	sshll.u32 s26, $0x1;
	_ =	strace $0x80000046;
	[dreg:$0x1] =	wrdreg $0xFFFFFFFF  }
0xad: {  	s28 =	simm.s32 $_size_execute0_lowered;
	s3 =	sadd.s32 s3, s5;
	[dreg:$0x0] =	wrdreg $0x0  }
0xae: {  	s5 =	sshll.u32 s28, $0x1;
	[dreg:$0x2] =	wrdreg s3  }
0xaf: {  	[dreg:$0x3] =	wrdreg s5  }
0xb0: {  	[dreg:$0x4] =	wrdreg $0xC0  }
0xb1: {  	_ =	task [dreg:s7], $0x5FFFF  }
0xb2: {  	[dreg:$0x1] =	wrdreg $0xFFFFFFFF  }
0xb3: {  	[dreg:$0x0] =	wrdreg $0x60  }
0xb4: {  	[dreg:$0x2] =	wrdreg s24  }
0xb5: {  	[dreg:$0x3] =	wrdreg s16  }
0xb6: {  	[dreg:$0x4] =	wrdreg $0x9  }
0xb7: {  	_ =	task.clear_ibuf [dreg:s7], $0x5FFFF;
	_ =	strace $0x90000046  }
0xb8: {  	s29 =	simm.s32 $0x9;
	_ =	strace $0x80000048  }
0xb9: {  	_ =	swait.ge [sflag:s29], $0x1  }
0xba: {  	[sflag:s29] =	ssyncadd.s32 $0xFFFFFFFF  }
0xbb: {  	_ =	strace $0x90000048  }
0xbc: {  	_ =	sfence  }
0xbd: {  	s30 =	sld [smem:$0x0];
	_ =	sdelay $0x2  }
0xbe: {  	s31 =	sshll.u32 s1, $0xD;
	s1 =	sshrl.u32 s1, $0x2  }
0xbf: {  	s3 =	sand.u32 $0x4000, s31;
	s1 =	sadd.s32 s1, s30  }
0xc0: {  	s0 =	sor.u32 s3, s0;
	s1 =	sshll.u32 s1, $0x11  }
0xc1: {  	s0 =	sor.u32 s1, s0  }
0xc2: {  	s0 =	sadd.s32 $0x8F2B, s0  }
0xc3: {  	[sflag:s0] =	ssyncadd.remote.s32 $0x1  }
0xc4: {  	_ =	sfence.sel $0xFFFF  }
0xc5: {  	[dreg:$0x0] =	wrdreg $0xFFFFFFFF;
	(pc) =	sbr.abs _section_cstart, $3  }
0xc6: {  	[dreg:$0x1] =	wrdreg $0xFFFFFFFF  }
0xc7: {  	_ =	task.clear_ibuf [dreg:s7], $0x2FFFF;
	_ =	strace $0x9FFFFFFF  }
0xc8: {  	(tm) =	ssettm $0x7FFFFFFF  }
0xc9: {  	_ =	shalt  }
tec
execute0_lowered:
.L_overlay_start_1:
0x0: {  	(tag) =	ssettag $0x1  }
0x1: {  	s4 =	rddreg [dreg:$0x0];
	s0 =	srdreg.scid  }
0x2: {  	s2 =	rddreg [dreg:$0x1];
	s1 =	stileid.u32;
	s3 =	simm.s32 $0x0  }
0x3: {  	s8 =	simm.s32 $0x8000;
	s9 =	simm.s32 $0x8080;
	s10 =	simm.s32 $0x0  }
0x4: {  	s5 =	sand.u32 $0x1, s0;
	s0 =	rddreg [dreg:$0x2];
	s6 =	sshll.u32 s1, $0xD  }
0x5: {  	[smem:$0x7FF] =	sst s3;
	s7 =	sshll.u32 s5, $0xC;
	s5 =	ssub.s32 $0x2, s5  }
0x6: {  	_ =	strace $0x80000047;
	s6 =	sor.u32 s7, s6;
	s30 =	sshrl.u32 s5, $0x1  }
0x7: {  	s7 =	simm.s32 $0x1;
	s6 =	sadd.s32 s6, s4;
	s31 =	ssub.s32 s5, s30  }
0x8: {  	s4 =	sadd.s32 $0xC00, s6;
	s5 =	sadd.s32 $0x20C00, s6;
	s6 =	smax.u32 s31, $0x1  }
.LBB2_1:
0x9: {  	[tilespmem:s3], [sflag:$0x1] =	stream.linear.gather [hbm4b:s4+s3], $0x8000, $0x38;
	[tilespmem:$0x10080] =	vst v63  }
0xa: {  	_ =	swait.ge [sflag:s7], $0x8000  }
0xb: {  	[sflag:s7] =	ssyncset.done $0x0  }
0xc: {  	[sflag:s7] =	ssyncadd.s32 $0xFFFF8000  }
0xd: {  	[tilespmem:s8], [sflag:$0x1] =	stream.linear.gather [hbm4b:s2+s3], $0x80, $0x38;
	[tilespmem:$0x10080] =	vst v63  }
0xe: {  	_ =	swait.ge [sflag:s7], $0x80  }
0xf: {  	[sflag:s7] =	ssyncset.done $0x0  }
0x10: {  	[sflag:s7] =	ssyncadd.s32 $0xFFFFFF80  }
0x11: {  	v0 =	vld [tilespmem:$0x8000]  }
0x12: {  	s12 =	simm.s32 $0x0;
	v1 =	vld [tilespmem:$0x8010]  }
0x13: {  	v2 =	vld [tilespmem:s12+$0x190]  }
0x14: {  	v3 =	vld [tilespmem:s12+$0x0]  }
0x15: {  	v4 =	vld [tilespmem:s12+$0x10]  }
0x16: {  	v5 =	vld [tilespmem:s12+$0x80]  }
0x17: {  	v6 =	vld [tilespmem:s12+$0x90]  }
0x18: {  	v7 =	vld [tilespmem:s12+$0x100];
	v2 =	vadd.f32 v2, v2  }
0x19: {  	v8 =	vld [tilespmem:s12+$0x110];
	v3 =	vadd.f32 v3, v3  }
0x1a: {  	s11 =	simm.s32 $0x200;
	v9 =	vld [tilespmem:s12+$0x180];
	v4 =	vadd.f32 v4, v4;
	v2 =	vadd.f32 $-1.000000000e+00, v2  }
0x1b: {  	v10 =	vld [tilespmem:s11+$0x190];
	v3 =	vadd.f32 $-1.000000000e+00, v3  }
0x1c: {  	v11 =	vld [tilespmem:s11+$0x0];
	v5 =	vadd.f32 v5, v5;
	v4 =	vadd.f32 $-1.000000000e+00, v4;
	v12 =	vmul.f32 v2, v1  }
0x1d: {  	v13 =	vld [tilespmem:s11+$0x10];
	v6 =	vadd.f32 v6, v6;
	v14 =	vmul.f32 v3, v0  }
0x1e: {  	v7 =	vadd.f32 v7, v7;
	v5 =	vadd.f32 $-1.000000000e+00, v5;
	v2 =	vld [tilespmem:s11+$0x80];
	[tilespmem:s12+$0x8210] =	vst v12;
	v12 =	vmul.f32 v4, v1  }
0x1f: {  	v8 =	vadd.f32 v8, v8;
	v6 =	vadd.f32 $-1.000000000e+00, v6;
	v3 =	vld [tilespmem:s11+$0x90];
	[tilespmem:s12+$0x8080] =	vst v14  }
0x20: {  	v9 =	vadd.f32 v9, v9;
	v14 =	vmul.f32 v5, v0;
	v4 =	vld [tilespmem:s11+$0x100];
	[tilespmem:s12+$0x8090] =	vst v12;
	v12 =	vadd.f32 $-1.000000000e+00, v7  }
0x21: {  	v15 =	vadd.f32 v10, v10;
	v17 =	vadd.f32 $-1.000000000e+00, v8;
	v16 =	vmul.f32 v6, v1  }
0x22: {  	v9 =	vadd.f32 $-1.000000000e+00, v9;
	v7 =	vadd.f32 v11, v11;
	v5 =	vld [tilespmem:s11+$0x110];
	[tilespmem:s12+$0x8100] =	vst v14;
	v10 =	vmul.f32 v12, v0  }
0x23: {  	s13 =	simm.s32 $0x400;
	s14 =	simm.s32 $0x1800;
	v8 =	vadd.f32 v13, v13;
	v11 =	vadd.f32 $-1.000000000e+00, v15;
	v6 =	vld [tilespmem:s11+$0x180];
	[tilespmem:s12+$0x8110] =	vst v16;
	v12 =	vmul.f32 v17, v1  }
.LBB2_2:
0x24: {  	p0 =	sne.s32 s14, $0x1F800;
	v13 =	vld [tilespmem:s13+$0x190];
	v7 =	vadd.f32 $-1.000000000e+00, v7;
	v2 =	vadd.f32 v2, v2;
	[tilespmem:s12+$0x8180] =	vst v10;
	v9 =	vmul.f32 v9, v0  }
0x25: {  	v10 =	vld [tilespmem:s13+$0x0];
	v8 =	vadd.f32 $-1.000000000e+00, v8;
	v3 =	vadd.f32 v3, v3;
	v11 =	vmul.f32 v11, v1;
	[tilespmem:s12+$0x8190] =	vst v12  }
0x26: {  	v12 =	vld [tilespmem:s13+$0x10];
	v7 =	vmul.f32 v7, v0;
	v14 =	vadd.f32 $-1.000000000e+00, v2;
	v4 =	vadd.f32 v4, v4;
	[tilespmem:s12+$0x8200] =	vst v9;
	s12 =	smov.u32 s11;
	s11 =	smov.u32 s13  }
.Ltmp0:
0x27: {  	v2 =	vld [tilespmem:s11+$0x80];
	v8 =	vmul.f32 v8, v1;
	v9 =	vadd.f32 $-1.000000000e+00, v3;
	v5 =	vadd.f32 v5, v5;
	[tilespmem:s12+$0x8210] =	vst v11;
	(pc) =	sbr.rel @p0 .LBB2_2-.Ltmp0, $4  }
0x28: {  	v3 =	vld [tilespmem:s11+$0x90];
	[tilespmem:s12+$0x8080] =	vst v7;
	v11 =	vmul.f32 v14, v0;
	v14 =	vadd.f32 $-1.000000000e+00, v4;
	v6 =	vadd.f32 v6, v6  }
0x29: {  	v4 =	vld [tilespmem:s11+$0x100];
	v13 =	vadd.f32 v13, v13;
	[tilespmem:s12+$0x8090] =	vst v8;
	v15 =	vmul.f32 v9, v1;
	v16 =	vadd.f32 $-1.000000000e+00, v5  }
0x2a: {  	v7 =	vadd.f32 v10, v10;
	v5 =	vld [tilespmem:s11+$0x110];
	[tilespmem:s12+$0x8100] =	vst v11;
	v10 =	vmul.f32 v14, v0;
	v9 =	vadd.f32 $-1.000000000e+00, v6  }
0x2b: {  	s13 =	sshra.s32 s14, $0x2;
	s14 =	sadd.s32 $0x800, s14;
	v8 =	vadd.f32 v12, v12;
	v6 =	vld [tilespmem:s11+$0x180];
	v11 =	vadd.f32 $-1.000000000e+00, v13;
	[tilespmem:s12+$0x8110] =	vst v15;
	v12 =	vmul.f32 v16, v1  }
0x2c: {  	v13 =	vld [tilespmem:s13+$0x190];
	[tilespmem:s12+$0x8180] =	vst v10;
	v9 =	vmul.f32 v9, v0;
	v7 =	vadd.f32 $-1.000000000e+00, v7;
	v2 =	vadd.f32 v2, v2  }
0x2d: {  	v10 =	vld [tilespmem:s13+$0x0];
	[tilespmem:s12+$0x8190] =	vst v12;
	v11 =	vmul.f32 v11, v1;
	v8 =	vadd.f32 $-1.000000000e+00, v8;
	v3 =	vadd.f32 v3, v3  }
0x2e: {  	v12 =	vld [tilespmem:s13+$0x10];
	[tilespmem:s12+$0x8200] =	vst v9;
	v7 =	vmul.f32 v7, v0;
	v2 =	vadd.f32 $-1.000000000e+00, v2;
	v4 =	vadd.f32 v4, v4  }
0x2f: {  	v9 =	vld [tilespmem:s13+$0x80];
	[tilespmem:s11+$0x8210] =	vst v11;
	v8 =	vmul.f32 v8, v1;
	v3 =	vadd.f32 $-1.000000000e+00, v3;
	v5 =	vadd.f32 v5, v5  }
0x30: {  	v11 =	vld [tilespmem:s13+$0x90];
	[tilespmem:s11+$0x8080] =	vst v7;
	v2 =	vmul.f32 v2, v0;
	v4 =	vadd.f32 $-1.000000000e+00, v4;
	v6 =	vadd.f32 v6, v6  }
0x31: {  	v7 =	vld [tilespmem:s13+$0x100];
	[tilespmem:s11+$0x8090] =	vst v8;
	v13 =	vadd.f32 v13, v13;
	v3 =	vmul.f32 v3, v1;
	v5 =	vadd.f32 $-1.000000000e+00, v5  }
0x32: {  	v8 =	vld [tilespmem:s13+$0x110];
	[tilespmem:s11+$0x8100] =	vst v2;
	v42 =	vadd.f32 v10, v10;
	v4 =	vmul.f32 v4, v0;
	v6 =	vadd.f32 $-1.000000000e+00, v6  }
0x33: {  	v43 =	vld [tilespmem:s13+$0x180];
	v12 =	vadd.f32 v12, v12;
	v13 =	vadd.f32 $-1.000000000e+00, v13;
	[tilespmem:s11+$0x8110] =	vst v3;
	v44 =	vmul.f32 v5, v1  }
0x34: {  	v2 =	vadd.f32 $-1.000000000e+00, v42;
	v45 =	vadd.f32 v9, v9;
	[tilespmem:s11+$0x8180] =	vst v4;
	v46 =	vmul.f32 v6, v0  }
0x35: {  	v47 =	vadd.f32 $-1.000000000e+00, v12;
	v48 =	vadd.f32 v11, v11;
	v49 =	vmul.f32 v13, v1;
	[tilespmem:s11+$0x8190] =	vst v44  }
0x36: {  	v2 =	vmul.f32 v2, v0;
	v50 =	vadd.f32 $-1.000000000e+00, v45;
	v51 =	vadd.f32 v7, v7;
	[tilespmem:s11+$0x8200] =	vst v46  }
0x37: {  	v52 =	vmul.f32 v47, v1;
	v53 =	vadd.f32 $-1.000000000e+00, v48;
	v54 =	vadd.f32 v8, v8;
	[tilespmem:s13+$0x8210] =	vst v49  }
0x38: {  	[tilespmem:s13+$0x8080] =	vst v2;
	v55 =	vmul.f32 v50, v0;
	v56 =	vadd.f32 $-1.000000000e+00, v51;
	v57 =	vadd.f32 v43, v43  }
0x39: {  	[tilespmem:s13+$0x8090] =	vst v52;
	v58 =	vmul.f32 v53, v1;
	v59 =	vadd.f32 $-1.000000000e+00, v54  }
0x3a: {  	[tilespmem:s13+$0x8100] =	vst v55;
	v60 =	vmul.f32 v56, v0;
	v61 =	vadd.f32 $-1.000000000e+00, v57  }
0x3b: {  	[tilespmem:s13+$0x8110] =	vst v58;
	v62 =	vmul.f32 v59, v1  }
0x3c: {  	s10 =	sadd.s32 $0x1, s10;
	[tilespmem:s13+$0x8180] =	vst v60;
	v63 =	vmul.f32 v61, v0  }
0x3d: {  	p0 =	sne.s32 s10, s6;
	[tilespmem:s13+$0x8190] =	vst v62  }
.Ltmp1:
0x3e: {  	[tilespmem:s13+$0x8200] =	vst v63;
	(pc) =	sbr.rel @p0 .LBB2_1-.Ltmp1, $4  }
0x3f: {  	[hbm4b:s5+s3] =	stream.linear.scatter [tilespmem:s9], [sflag:$0x1], $0x8000, $0x38;
	[tilespmem:$0x10080] =	vst v63  }
0x40: {  	_ =	swait.ge [sflag:s7], $0x8000  }
0x41: {  	[sflag:s7] =	ssyncset.done $0x0  }
0x42: {  	[sflag:s7] =	ssyncadd.s32 $0xFFFF8000  }
0x43: {  	_ =	sfence.sel $0x180000  }
0x44: {  	[bflag:$0x0] =	sbarrier.arrive $0xFFFF  }
0x45: {  	p0 =	sne.s32 s1, $0x0;
	_ =	strace $0x90000047  }
0x46: {  	s0 =	sadd.s32 @!p0 $0x100000, s0;
	[bflag:$0x2] =	sbarrier.arrive $0xFFFF  }
0x47: {  	[sflag:s0] =	ssyncadd.tile.s32 @!p0 $0x1;
	_ =	shalt  }
.Lfunc_end2:
_tile_overlayer_lowered:
.L_overlay_start_2:
0x48: {  	(tag) =	ssettag $0x2  }
0x49: {  	s0 =	rddreg [dreg:$0x0];
	s2 =	stileid.u32  }
0x4a: {  	s1 =	rddreg [dreg:$0x1];
	p0 =	sne.s32 s2, $0x0  }
0x4b: {  	s3 =	rddreg [dreg:$0x2];
	[bflag:$0x3] =	sbarrier.arrive $0xFFFF;
	s2 =	simm.s32 @!p0 $0x1C01  }
0x4c: {  	[timem:s3], [sflag:s2] =	dma.local @!p0 [hbm:s0], s1  }
0x4d: {  	s0 =	simm.s32 @!p0 $0x1  }
0x4e: {  	_ =	swait.ge @!p0 [sflag:s0], s1  }
0x4f: {  	s1 =	ssub.s32 @!p0 $0x0, s1;
	[sflag:s0] =	ssyncset.done @!p0 $0x0  }
0x50: {  	[sflag:s0] =	ssyncadd.s32 @!p0 s1  }
0x51: {  	[bflag:$0x3] =	sbarrier.arrive $0xFFFF  }
0x52: {  	_ =	shalt  }

</sc_bundles>
